<compile_context>
chip_gen: v7x
topology: tpu7x:2x2x1
jax: 0.10.2.dev20260603
libtpu: 0.0.44.dev20260713+nightly
codegen_flags: <defaults>
</compile_context>

<pallas_src>
import jax
import jax.numpy as jnp
from jax import lax
from jax.experimental import pallas as pl
from jax.experimental.pallas import tpu as pltpu
from jax.experimental.pallas import tpu_sc as plsc

_BETA = 0.7
_LAMBDA_ELR = 3.0
_B = 16384
_C = 100
_CP = 128
_NE = 1000000
_NW = 32
_BPW = _B // _NW
_GRID = 4
_BC = _B // _GRID



def _sc_body(norm_hbm, idx_hbm, out_hbm, buf_hbm, idx_v, rows_v, sem):
    wid = lax.axis_index("s") * 2 + lax.axis_index("c")
    base = wid * _BPW
    pltpu.sync_copy(idx_hbm.at[pl.ds(base, _BPW)], idx_v)
    pltpu.sync_copy(norm_hbm.at[pl.ds(base, _BPW)], rows_v)
    pltpu.async_copy(rows_v, buf_hbm.at[idx_v], sem).wait()
    pltpu.async_copy(buf_hbm.at[idx_v], rows_v, sem).wait()
    pltpu.sync_copy(rows_v, out_hbm.at[pl.ds(base, _BPW)])


def _sc_resolve_rows(norm, index):
    mesh = plsc.VectorSubcoreMesh(core_axis_name="c", subcore_axis_name="s")
    out, _ = pl.kernel(
        _sc_body,
        out_type=(
            jax.ShapeDtypeStruct((_B, _CP), jnp.float32),
            jax.ShapeDtypeStruct((_NE, _CP), jnp.float32),
        ),
        mesh=mesh,
        scratch_types=[
            pltpu.VMEM((_BPW,), jnp.int32),
            pltpu.VMEM((_BPW, _CP), jnp.float32),
            pltpu.SemaphoreType.DMA,
        ],
    )(norm, index)
    return out



def _softmax(o):
    e = jnp.exp(o)
    se = jnp.sum(e, axis=1, keepdims=True)
    return e, se


def _pre_body(out_ref, norm_ref):
    o = out_ref[:, :]
    e, se = _softmax(o)
    p = jnp.clip(e * (1.0 / se), 0.0001, 1.0 - 0.0001)
    norm = p * (1.0 / jnp.sum(p, axis=1, keepdims=True))
    norm_ref[:, :] = jnp.concatenate(
        [norm, jnp.zeros((_BC, _CP - _C), jnp.float32)], axis=1)


def _tc_pre(output):
    return pl.pallas_call(
        _pre_body,
        grid=(_GRID,),
        in_specs=[pl.BlockSpec((_BC, _C), lambda i: (i, 0))],
        out_specs=pl.BlockSpec((_BC, _CP), lambda i: (i, 0)),
        out_shape=jax.ShapeDtypeStruct((_B, _CP), jnp.float32),
    )(output)


def _post_body(out_ref, label_ref, new_ref, loss_ref):
    i = pl.program_id(0)
    o = out_ref[:, :]
    e, se = _softmax(o)
    p = jnp.clip(e * (1.0 / se), 0.0001, 1.0 - 0.0001)
    lab = label_ref[:, :]
    onehot = lax.broadcasted_iota(jnp.int32, (_BC, _C), 1) == lab
    logp_at = (jnp.sum(jnp.where(onehot, o, 0.0), axis=1, keepdims=True)
               - jnp.log(se))
    s = (1.0 - _BETA) * jnp.sum(new_ref[:, :_C] * p, axis=1, keepdims=True)
    part = jnp.reshape(
        (-jnp.sum(logp_at) + _LAMBDA_ELR * jnp.sum(jnp.log(1.0 - s))) / _B,
        (1, 1))

    @pl.when(i == 0)
    def _():
        loss_ref[:, :] = part

    @pl.when(i > 0)
    def _():
        loss_ref[:, :] = loss_ref[:, :] + part


def _tc_post(output, label, new_rows):
    return pl.pallas_call(
        _post_body,
        grid=(_GRID,),
        in_specs=[
            pl.BlockSpec((_BC, _C), lambda i: (i, 0)),
            pl.BlockSpec((_BC, 1), lambda i: (i, 0)),
            pl.BlockSpec((_BC, _CP), lambda i: (i, 0)),
        ],
        out_specs=pl.BlockSpec((1, 1), lambda i: (0, 0)),
        out_shape=jax.ShapeDtypeStruct((1, 1), jnp.float32),
    )(output, label, new_rows)


def kernel(output, label, index, target):
    del target
    norm = _tc_pre(output)
    new_rows = _sc_resolve_rows(norm, index)
    loss = _tc_post(output, label.reshape(_B, 1), new_rows)
    return loss[0, 0]

# --- scband reference (transcript-rebuilt; emitter-appended) ---
"""Pipeline reference for scband-elrloss-running-avg-75179107549451 (READ-ONLY COPY).

The authoritative reference and input builder live on the scoring server;
editing this copy changes nothing except your own understanding.
"""

import jax, jax.numpy as jnp
import numpy as np

BETA = 0.7
LAMBDA_ELR = 3.0
NUM_EXAMP = 1000000
NUM_CLASSES = 100
BATCH = 16384


def setup_inputs(seed: int = 0) -> dict:
    key = jax.random.key(seed)
    k1, k2, k3 = jax.random.split(key, 3)
    output = jax.random.normal(k1, (BATCH, NUM_CLASSES), dtype=jnp.float32)
    label = jax.random.randint(k2, (BATCH,), 0, NUM_CLASSES, dtype=jnp.int32)
    index = jax.random.randint(k3, (BATCH,), 0, NUM_EXAMP, dtype=jnp.int32)
    target = jnp.zeros((NUM_EXAMP, NUM_CLASSES), dtype=jnp.float32)
    return {"output": output, "label": label, "index": index, "target": target}


def reference(output, label, index, target):
    # y_pred = softmax(output), clamped
    y_pred = jax.nn.softmax(output, axis=1)
    y_pred = jnp.clip(y_pred, 0.0001, 1.0 - 0.0001)
    # detached copy for the running-average memory update
    y_pred_ = jax.lax.stop_gradient(y_pred)
    norm = y_pred_ / jnp.sum(y_pred_, axis=1, keepdims=True)
    # gather current memory rows, EMA update, scatter-overwrite
    old_rows = jnp.take(target, index, axis=0)
    new_rows = BETA * old_rows + (1.0 - BETA) * norm
    target_new = target.at[index].set(new_rows)
    # cross entropy
    logp = jax.nn.log_softmax(output, axis=1)
    ce_loss = -jnp.mean(jnp.take_along_axis(logp, label[:, None].astype(jnp.int32), axis=1))
    # ELR regularizer uses the UPDATED target rows (gather from scattered memory)
    tgt_rows = jnp.take(target_new, index, axis=0)
    elr_reg = jnp.mean(jnp.log(1.0 - jnp.sum(tgt_rows * y_pred, axis=1)))
    final_loss = ce_loss + LAMBDA_ELR * elr_reg
    return final_loss

if __name__ == "__main__":
    import jax
    _d = setup_inputs()
    print(jax.jit(kernel)(*tuple(_d.values())))

</pallas_src>

<mosaic_0001>
#map = affine_map<(d0, d1) -> (0, 0)>
#map1 = affine_map<(d0, d1) -> (0)>
module attributes {stable_mosaic.version = 14 : i64} {
  func.func @_sc_body(%arg0: i32, %arg1: i32, %arg2: memref<16384x128xf32, #tpu.memory_space<hbm>>, %arg3: memref<16384xi32, #tpu.memory_space<hbm>>, %arg4: memref<16384x128xf32, #tpu.memory_space<hbm>>, %arg5: memref<1000000x128xf32, #tpu.memory_space<hbm>>, %arg6: memref<512xi32, #tpu.memory_space<vmem>>, %arg7: memref<512x128xf32, #tpu.memory_space<vmem>>, %arg8: memref<!tpu.dma_semaphore, #tpu.memory_space<semaphore_mem>>) attributes {dimension_semantics = [#tpu.dimension_semantics<core_parallel>, #tpu.dimension_semantics<subcore_parallel>], iteration_bounds = array<i64: 2, 16>, scalar_prefetch = 0 : i64, scratch_operands = 3 : i64, tpu.core_type = #tpu.core_type<sc_vector_subcore>, window_params = [{transform_indices = #map}, {transform_indices = #map1}, {transform_indices = #map}, {transform_indices = #map}]} {
    %mul3A = arith.constant 2 : i32
    %mul3A_0 = arith.muli %arg1, %mul3A : i32
    %add3A = arith.addi %mul3A_0, %arg0 : i32
    %mul3A_1 = arith.constant 512 : i32
    %mul3A_2 = arith.muli %add3A, %mul3A_1 : i32
    "tpu.region"() ({
      %run_scoped3A = tpu.sem_alloc : memref<!tpu.dma_semaphore, #tpu.memory_space<semaphore_mem>>
      %dma_start3A_13 = tpu.memref_slice %arg3[%mul3A_2] : memref<16384xi32, #tpu.memory_space<hbm>> -> memref<512xi32, #tpu.memory_space<hbm>>
      %dma_start3A_14 = tpu.memref_slice %arg3[%mul3A_2] : memref<16384xi32, #tpu.memory_space<hbm>> -> memref<512xi32, #tpu.memory_space<hbm>>
      tpu.enqueue_dma source(%dma_start3A_14 : memref<512xi32, #tpu.memory_space<hbm>>) target(%arg6 : memref<512xi32, #tpu.memory_space<vmem>>) target_semaphore(%run_scoped3A : memref<!tpu.dma_semaphore, #tpu.memory_space<semaphore_mem>>)
      %dma_wait3A_15 = tpu.memref_slice %arg3[%mul3A_2] : memref<16384xi32, #tpu.memory_space<hbm>> -> memref<512xi32, #tpu.memory_space<hbm>>
      %dma_wait3A_16 = tpu.memref_slice %arg3[%mul3A_2] : memref<16384xi32, #tpu.memory_space<hbm>> -> memref<512xi32, #tpu.memory_space<hbm>>
      tpu.wait_dma2 semaphore(%run_scoped3A : memref<!tpu.dma_semaphore, #tpu.memory_space<semaphore_mem>>) src(%dma_wait3A_16 : memref<512xi32, #tpu.memory_space<hbm>>) dst(%arg6 : memref<512xi32, #tpu.memory_space<vmem>>)
      tpu.yield
    }) : () -> ()
    "tpu.region"() ({
      %run_scoped3A = tpu.sem_alloc : memref<!tpu.dma_semaphore, #tpu.memory_space<semaphore_mem>>
      %dma_start3A_13 = arith.constant 0 : i32
      %dma_start3A_14 = tpu.memref_slice %arg2[%mul3A_2, %dma_start3A_13] : memref<16384x128xf32, #tpu.memory_space<hbm>> -> memref<512x128xf32, #tpu.memory_space<hbm>>
      %dma_start3A_15 = arith.constant 0 : i32
      %dma_start3A_16 = tpu.memref_slice %arg2[%mul3A_2, %dma_start3A_15] : memref<16384x128xf32, #tpu.memory_space<hbm>> -> memref<512x128xf32, #tpu.memory_space<hbm>>
      tpu.enqueue_dma source(%dma_start3A_16 : memref<512x128xf32, #tpu.memory_space<hbm>>) target(%arg7 : memref<512x128xf32, #tpu.memory_space<vmem>>) target_semaphore(%run_scoped3A : memref<!tpu.dma_semaphore, #tpu.memory_space<semaphore_mem>>)
      %dma_wait3A_17 = arith.constant 0 : i32
      %dma_wait3A_18 = tpu.memref_slice %arg2[%mul3A_2, %dma_wait3A_17] : memref<16384x128xf32, #tpu.memory_space<hbm>> -> memref<512x128xf32, #tpu.memory_space<hbm>>
      %dma_wait3A_19 = arith.constant 0 : i32
      %dma_wait3A_20 = tpu.memref_slice %arg2[%mul3A_2, %dma_wait3A_19] : memref<16384x128xf32, #tpu.memory_space<hbm>> -> memref<512x128xf32, #tpu.memory_space<hbm>>
      tpu.wait_dma2 semaphore(%run_scoped3A : memref<!tpu.dma_semaphore, #tpu.memory_space<semaphore_mem>>) src(%dma_wait3A_20 : memref<512x128xf32, #tpu.memory_space<hbm>>) dst(%arg7 : memref<512x128xf32, #tpu.memory_space<vmem>>)
      tpu.yield
    }) : () -> ()
    %dma_start3A = arith.constant 0 : i32
    %dma_start3A_3 = arith.constant 0 : i32
    %dma_start3A_4 = tpu.memref_slice %arg5[%dma_start3A, %dma_start3A_3] : memref<1000000x128xf32, #tpu.memory_space<hbm>> -> memref<1000000x128xf32, #tpu.memory_space<hbm>>
    tpu.enqueue_indirect_dma source(%arg7 : memref<512x128xf32, #tpu.memory_space<vmem>>) target(%dma_start3A_4 : memref<1000000x128xf32, #tpu.memory_space<hbm>>) offsets(%arg6 : memref<512xi32, #tpu.memory_space<vmem>>) semaphore(%arg8 : memref<!tpu.dma_semaphore, #tpu.memory_space<semaphore_mem>>)
    %dma_wait3A = arith.constant 0 : i32
    %dma_wait3A_5 = arith.constant 0 : i32
    %dma_wait3A_6 = tpu.memref_slice %arg5[%dma_wait3A, %dma_wait3A_5] : memref<1000000x128xf32, #tpu.memory_space<hbm>> -> memref<1000000x128xf32, #tpu.memory_space<hbm>>
    tpu.wait_indirect_dma semaphore(%arg8 : memref<!tpu.dma_semaphore, #tpu.memory_space<semaphore_mem>>) src(%arg7 : memref<512x128xf32, #tpu.memory_space<vmem>>) dst(%dma_wait3A_6 : memref<1000000x128xf32, #tpu.memory_space<hbm>>)
    %dma_start3A_7 = arith.constant 0 : i32
    %dma_start3A_8 = arith.constant 0 : i32
    %dma_start3A_9 = tpu.memref_slice %arg5[%dma_start3A_7, %dma_start3A_8] : memref<1000000x128xf32, #tpu.memory_space<hbm>> -> memref<1000000x128xf32, #tpu.memory_space<hbm>>
    tpu.enqueue_indirect_dma source(%dma_start3A_9 : memref<1000000x128xf32, #tpu.memory_space<hbm>>) target(%arg7 : memref<512x128xf32, #tpu.memory_space<vmem>>) offsets(%arg6 : memref<512xi32, #tpu.memory_space<vmem>>) semaphore(%arg8 : memref<!tpu.dma_semaphore, #tpu.memory_space<semaphore_mem>>)
    %dma_wait3A_10 = arith.constant 0 : i32
    %dma_wait3A_11 = arith.constant 0 : i32
    %dma_wait3A_12 = tpu.memref_slice %arg5[%dma_wait3A_10, %dma_wait3A_11] : memref<1000000x128xf32, #tpu.memory_space<hbm>> -> memref<1000000x128xf32, #tpu.memory_space<hbm>>
    tpu.wait_indirect_dma semaphore(%arg8 : memref<!tpu.dma_semaphore, #tpu.memory_space<semaphore_mem>>) src(%dma_wait3A_12 : memref<1000000x128xf32, #tpu.memory_space<hbm>>) dst(%arg7 : memref<512x128xf32, #tpu.memory_space<vmem>>)
    "tpu.region"() ({
      %run_scoped3A = tpu.sem_alloc : memref<!tpu.dma_semaphore, #tpu.memory_space<semaphore_mem>>
      %dma_start3A_13 = arith.constant 0 : i32
      %dma_start3A_14 = tpu.memref_slice %arg4[%mul3A_2, %dma_start3A_13] : memref<16384x128xf32, #tpu.memory_space<hbm>> -> memref<512x128xf32, #tpu.memory_space<hbm>>
      %dma_start3A_15 = arith.constant 0 : i32
      %dma_start3A_16 = tpu.memref_slice %arg4[%mul3A_2, %dma_start3A_15] : memref<16384x128xf32, #tpu.memory_space<hbm>> -> memref<512x128xf32, #tpu.memory_space<hbm>>
      tpu.enqueue_dma source(%arg7 : memref<512x128xf32, #tpu.memory_space<vmem>>) target(%dma_start3A_16 : memref<512x128xf32, #tpu.memory_space<hbm>>) target_semaphore(%run_scoped3A : memref<!tpu.dma_semaphore, #tpu.memory_space<semaphore_mem>>)
      %dma_wait3A_17 = arith.constant 0 : i32
      %dma_wait3A_18 = tpu.memref_slice %arg4[%mul3A_2, %dma_wait3A_17] : memref<16384x128xf32, #tpu.memory_space<hbm>> -> memref<512x128xf32, #tpu.memory_space<hbm>>
      %dma_wait3A_19 = arith.constant 0 : i32
      %dma_wait3A_20 = tpu.memref_slice %arg4[%mul3A_2, %dma_wait3A_19] : memref<16384x128xf32, #tpu.memory_space<hbm>> -> memref<512x128xf32, #tpu.memory_space<hbm>>
      tpu.wait_dma2 semaphore(%run_scoped3A : memref<!tpu.dma_semaphore, #tpu.memory_space<semaphore_mem>>) src(%arg7 : memref<512x128xf32, #tpu.memory_space<vmem>>) dst(%dma_wait3A_20 : memref<512x128xf32, #tpu.memory_space<hbm>>)
      tpu.yield
    }) : () -> ()
    return
  }
}

module attributes {stable_mosaic.version = 14 : i64} {
  func.func @_pre_body(%arg0: i32, %arg1: memref<4096x100xf32, #tpu.memory_space<vmem>>, %arg2: memref<4096x128xf32, #tpu.memory_space<vmem>>) attributes {dimension_semantics = [#tpu.dimension_semantics<arbitrary>], iteration_bounds = array<i64: 4>, scalar_prefetch = 0 : i64, scratch_operands = 0 : i64, tpu.core_type = #tpu.core_type<tc>, window_params = [{transform_indices = @transform_0, window_bounds = array<i64: 4096, 100>}, {transform_indices = @transform_1, window_bounds = array<i64: 4096, 128>}]} {
    %get3A = arith.constant 0 : index
    %get3A_0 = arith.constant 0 : index
    %get3A_1 = vector.load %arg1[%get3A, %get3A_0] : memref<4096x100xf32, #tpu.memory_space<vmem>>, vector<4096x100xf32>
    %exp3A = math.exp %get3A_1 : vector<4096x100xf32>
    %reduce_sum3A = arith.constant dense<0.000000e+00> : vector<4096xf32>
    %reduce_sum3A_2 = vector.multi_reduction <add>, %exp3A, %reduce_sum3A [1] : vector<4096x100xf32> to vector<4096xf32>
    %broadcast_in_dim3A = vector.shape_cast %reduce_sum3A_2 : vector<4096xf32> to vector<4096x1xf32>
    %div3A = arith.constant 1.000000e+00 : f32
    %div3A_3 = vector.broadcast %div3A : f32 to vector<4096x1xf32>
    %div3A_4 = arith.divf %div3A_3, %broadcast_in_dim3A : vector<4096x1xf32>
    %mul3A = vector.broadcast %div3A_4 : vector<4096x1xf32> to vector<4096x100xf32>
    %mul3A_5 = arith.mulf %exp3A, %mul3A : vector<4096x100xf32>
    %jit3A = arith.constant 9.99999974E-5 : f32
    %jit3A_6 = arith.constant 0.999899983 : f32
    %max3A = vector.broadcast %jit3A : f32 to vector<4096x100xf32>
    %max3A_7 = arith.maximumf %max3A, %mul3A_5 : vector<4096x100xf32>
    %min3A = vector.broadcast %jit3A_6 : f32 to vector<4096x100xf32>
    %min3A_8 = arith.minimumf %min3A, %max3A_7 : vector<4096x100xf32>
    %reduce_sum3A_9 = arith.constant dense<0.000000e+00> : vector<4096xf32>
    %reduce_sum3A_10 = vector.multi_reduction <add>, %min3A_8, %reduce_sum3A_9 [1] : vector<4096x100xf32> to vector<4096xf32>
    %broadcast_in_dim3A_11 = vector.shape_cast %reduce_sum3A_10 : vector<4096xf32> to vector<4096x1xf32>
    %div3A_12 = arith.constant 1.000000e+00 : f32
    %div3A_13 = vector.broadcast %div3A_12 : f32 to vector<4096x1xf32>
    %div3A_14 = arith.divf %div3A_13, %broadcast_in_dim3A_11 : vector<4096x1xf32>
    %mul3A_15 = vector.broadcast %div3A_14 : vector<4096x1xf32> to vector<4096x100xf32>
    %mul3A_16 = arith.mulf %min3A_8, %mul3A_15 : vector<4096x100xf32>
    %broadcast_in_dim3A_17 = arith.constant 0.000000e+00 : f32
    %broadcast_in_dim3A_18 = vector.broadcast %broadcast_in_dim3A_17 : f32 to vector<4096x28xf32>
    %concatenate3A = tpu.concatenate %mul3A_16, %broadcast_in_dim3A_18 in 1 : vector<4096x100xf32>, vector<4096x28xf32> -> vector<4096x128xf32>
    %swap3A = arith.constant 0 : index
    %swap3A_19 = arith.constant 0 : index
    %swap3A_20 = vector.load %arg2[%swap3A, %swap3A_19] : memref<4096x128xf32, #tpu.memory_space<vmem>>, vector<4096x128xf32>
    tpu.vector_store %arg2[%swap3A, %swap3A_19], %concatenate3A {strides = array<i32>} : memref<4096x128xf32, #tpu.memory_space<vmem>>, vector<4096x128xf32>,
    return
  }
  func.func @transform_0(%arg0: i32) -> (i32, i32) {
    %c0_i32 = arith.constant 0 : i32
    %c0_i32_0 = arith.constant 0 : i32
    return %arg0, %c0_i32 : i32, i32
  }
  func.func @transform_1(%arg0: i32) -> (i32, i32) {
    %c0_i32 = arith.constant 0 : i32
    %c0_i32_0 = arith.constant 0 : i32
    return %arg0, %c0_i32 : i32, i32
  }
}

module attributes {stable_mosaic.version = 14 : i64} {
  func.func @_post_body(%arg0: i32, %arg1: memref<4096x100xf32, #tpu.memory_space<vmem>>, %arg2: memref<4096x1xi32, #tpu.memory_space<vmem>>, %arg3: memref<4096x128xf32, #tpu.memory_space<vmem>>, %arg4: memref<1x1xf32, #tpu.memory_space<vmem>>) attributes {dimension_semantics = [#tpu.dimension_semantics<arbitrary>], iteration_bounds = array<i64: 4>, scalar_prefetch = 0 : i64, scratch_operands = 0 : i64, tpu.core_type = #tpu.core_type<tc>, window_params = [{transform_indices = @transform_0, window_bounds = array<i64: 4096, 100>}, {transform_indices = @transform_1, window_bounds = array<i64: 4096, 1>}, {transform_indices = @transform_2, window_bounds = array<i64: 4096, 128>}, {pipeline_mode = #tpu.pipeline_mode<synchronous>, transform_indices = @transform_3, window_bounds = array<i64: 1, 1>}]} {
    %get3A = arith.constant 0 : index
    %get3A_0 = arith.constant 0 : index
    %get3A_1 = vector.load %arg1[%get3A, %get3A_0] : memref<4096x100xf32, #tpu.memory_space<vmem>>, vector<4096x100xf32>
    %exp3A = math.exp %get3A_1 : vector<4096x100xf32>
    %reduce_sum3A = arith.constant dense<0.000000e+00> : vector<4096xf32>
    %reduce_sum3A_2 = vector.multi_reduction <add>, %exp3A, %reduce_sum3A [1] : vector<4096x100xf32> to vector<4096xf32>
    %broadcast_in_dim3A = vector.shape_cast %reduce_sum3A_2 : vector<4096xf32> to vector<4096x1xf32>
    %div3A = arith.constant 1.000000e+00 : f32
    %div3A_3 = vector.broadcast %div3A : f32 to vector<4096x1xf32>
    %div3A_4 = arith.divf %div3A_3, %broadcast_in_dim3A : vector<4096x1xf32>
    %mul3A = vector.broadcast %div3A_4 : vector<4096x1xf32> to vector<4096x100xf32>
    %mul3A_5 = arith.mulf %exp3A, %mul3A : vector<4096x100xf32>
    %jit3A = arith.constant 9.99999974E-5 : f32
    %jit3A_6 = arith.constant 0.999899983 : f32
    %max3A = vector.broadcast %jit3A : f32 to vector<4096x100xf32>
    %max3A_7 = arith.maximumf %max3A, %mul3A_5 : vector<4096x100xf32>
    %min3A = vector.broadcast %jit3A_6 : f32 to vector<4096x100xf32>
    %min3A_8 = arith.minimumf %min3A, %max3A_7 : vector<4096x100xf32>
    %get3A_9 = arith.constant 0 : index
    %get3A_10 = arith.constant 0 : index
    %get3A_11 = vector.load %arg2[%get3A_9, %get3A_10] : memref<4096x1xi32, #tpu.memory_space<vmem>>, vector<4096x1xi32>
    %iota3A = tpu.iota {dimensions = array<i32: 1>} : vector<4096x100xi32>
    %eq3A = vector.broadcast %get3A_11 : vector<4096x1xi32> to vector<4096x100xi32>
    %eq3A_12 = arith.cmpi eq, %iota3A, %eq3A : vector<4096x100xi32>
    %jit3A_13 = arith.constant 0.000000e+00 : f32
    %broadcast_in_dim3A_14 = vector.broadcast %jit3A_13 : f32 to vector<4096x100xf32>
    %select_n3A = arith.select %eq3A_12, %get3A_1, %broadcast_in_dim3A_14 : vector<4096x100xi1>, vector<4096x100xf32>
    %reduce_sum3A_15 = arith.constant dense<0.000000e+00> : vector<4096xf32>
    %reduce_sum3A_16 = vector.multi_reduction <add>, %select_n3A, %reduce_sum3A_15 [1] : vector<4096x100xf32> to vector<4096xf32>
    %broadcast_in_dim3A_17 = vector.shape_cast %reduce_sum3A_16 : vector<4096xf32> to vector<4096x1xf32>
    %log3A = math.log %broadcast_in_dim3A : vector<4096x1xf32>
    %sub3A = arith.subf %broadcast_in_dim3A_17, %log3A : vector<4096x1xf32>
    %get3A_18 = arith.constant 0 : index
    %get3A_19 = arith.constant 0 : index
    %get3A_20 = vector.load %arg3[%get3A_18, %get3A_19] : memref<4096x128xf32, #tpu.memory_space<vmem>>, vector<4096x100xf32>
    %mul3A_21 = arith.mulf %get3A_20, %min3A_8 : vector<4096x100xf32>
    %reduce_sum3A_22 = arith.constant dense<0.000000e+00> : vector<4096xf32>
    %reduce_sum3A_23 = vector.multi_reduction <add>, %mul3A_21, %reduce_sum3A_22 [1] : vector<4096x100xf32> to vector<4096xf32>
    %broadcast_in_dim3A_24 = vector.shape_cast %reduce_sum3A_23 : vector<4096xf32> to vector<4096x1xf32>
    %mul3A_25 = arith.constant 3.000000e-01 : f32
    %mul3A_26 = vector.broadcast %mul3A_25 : f32 to vector<4096x1xf32>
    %mul3A_27 = arith.mulf %mul3A_26, %broadcast_in_dim3A_24 : vector<4096x1xf32>
    %reduce_sum3A_28 = vector.shape_cast %sub3A : vector<4096x1xf32> to vector<1x4096x1xf32>
    %reduce_sum3A_29 = arith.constant dense<0.000000e+00> : vector<1xf32>
    %reduce_sum3A_30 = vector.multi_reduction <add>, %reduce_sum3A_28, %reduce_sum3A_29 [1, 2] : vector<1x4096x1xf32> to vector<1xf32>
    %reduce_sum3A_31 = vector.shape_cast %reduce_sum3A_30 : vector<1xf32> to vector<1x1x1xf32>
    %reduce_sum3A_32 = vector.extract %reduce_sum3A_31[0, 0, 0] : f32 from vector<1x1x1xf32>
    %neg3A = arith.constant 0.000000e+00 : f32
    %neg3A_33 = arith.subf %neg3A, %reduce_sum3A_32 : f32
    %sub3A_34 = arith.constant 1.000000e+00 : f32
    %sub3A_35 = vector.broadcast %sub3A_34 : f32 to vector<4096x1xf32>
    %sub3A_36 = arith.subf %sub3A_35, %mul3A_27 : vector<4096x1xf32>
    %log3A_37 = math.log %sub3A_36 : vector<4096x1xf32>
    %reduce_sum3A_38 = vector.shape_cast %log3A_37 : vector<4096x1xf32> to vector<1x4096x1xf32>
    %reduce_sum3A_39 = arith.constant dense<0.000000e+00> : vector<1xf32>
    %reduce_sum3A_40 = vector.multi_reduction <add>, %reduce_sum3A_38, %reduce_sum3A_39 [1, 2] : vector<1x4096x1xf32> to vector<1xf32>
    %reduce_sum3A_41 = vector.shape_cast %reduce_sum3A_40 : vector<1xf32> to vector<1x1x1xf32>
    %reduce_sum3A_42 = vector.extract %reduce_sum3A_41[0, 0, 0] : f32 from vector<1x1x1xf32>
    %mul3A_43 = arith.constant 3.000000e+00 : f32
    %mul3A_44 = arith.mulf %mul3A_43, %reduce_sum3A_42 : f32
    %add3A = arith.addf %neg3A_33, %mul3A_44 : f32
    %div3A_45 = arith.constant 1.638400e+04 : f32
    %div3A_46 = arith.divf %add3A, %div3A_45 : f32
    %reshape3A = vector.broadcast %div3A_46 : f32 to vector<1x1xf32>
    %eq3A_47 = arith.constant 0 : i32
    %eq3A_48 = arith.cmpi eq, %arg0, %eq3A_47 : i32
    %convert_element_type3A = arith.extui %eq3A_48 : i1 to i32
    %cond3A = arith.constant 0 : i32
    %cond3A_49 = arith.cmpi ne, %convert_element_type3A, %cond3A : i32
    scf.if %cond3A_49 {
      %swap3A = arith.constant 0 : index
      %swap3A_54 = arith.constant 0 : index
      %swap3A_55 = vector.load %arg4[%swap3A, %swap3A_54] : memref<1x1xf32, #tpu.memory_space<vmem>>, vector<1x1xf32>
      tpu.vector_store %arg4[%swap3A, %swap3A_54], %reshape3A {strides = array<i32>} : memref<1x1xf32, #tpu.memory_space<vmem>>, vector<1x1xf32>,
    } else {
    }
    %gt3A = arith.constant 0 : i32
    %gt3A_50 = arith.cmpi sgt, %arg0, %gt3A : i32
    %convert_element_type3A_51 = arith.extui %gt3A_50 : i1 to i32
    %cond3A_52 = arith.constant 0 : i32
    %cond3A_53 = arith.cmpi ne, %convert_element_type3A_51, %cond3A_52 : i32
    scf.if %cond3A_53 {
      %get3A_54 = arith.constant 0 : index
      %get3A_55 = arith.constant 0 : index
      %get3A_56 = vector.load %arg4[%get3A_54, %get3A_55] : memref<1x1xf32, #tpu.memory_space<vmem>>, vector<1x1xf32>
      %add3A_57 = arith.addf %get3A_56, %reshape3A : vector<1x1xf32>
      %swap3A = arith.constant 0 : index
      %swap3A_58 = arith.constant 0 : index
      %swap3A_59 = vector.load %arg4[%swap3A, %swap3A_58] : memref<1x1xf32, #tpu.memory_space<vmem>>, vector<1x1xf32>
      tpu.vector_store %arg4[%swap3A, %swap3A_58], %add3A_57 {strides = array<i32>} : memref<1x1xf32, #tpu.memory_space<vmem>>, vector<1x1xf32>,
    } else {
    }
    return
  }
  func.func @transform_0(%arg0: i32) -> (i32, i32) {
    %c0_i32 = arith.constant 0 : i32
    %c0_i32_0 = arith.constant 0 : i32
    return %arg0, %c0_i32 : i32, i32
  }
  func.func @transform_1(%arg0: i32) -> (i32, i32) {
    %c0_i32 = arith.constant 0 : i32
    %c0_i32_0 = arith.constant 0 : i32
    return %arg0, %c0_i32 : i32, i32
  }
  func.func @transform_2(%arg0: i32) -> (i32, i32) {
    %c0_i32 = arith.constant 0 : i32
    %c0_i32_0 = arith.constant 0 : i32
    return %arg0, %c0_i32 : i32, i32
  }
  func.func @transform_3(%arg0: i32) -> (i32, i32) {
    %c0_i32 = arith.constant 0 : i32
    %c0_i32_0 = arith.constant 0 : i32
    %c0_i32_1 = arith.constant 0 : i32
    return %c0_i32, %c0_i32_0 : i32, i32
  }
}

</mosaic_0001>

<sc_bundles>
// kernel: kernel.5.cloned.1.call-start
scs
__scs_entry_jumppad:
0x0: {  	(pc) =	sbr.rel $0x88, $3  }
0x1: {  	(tag) =	ssettag $0x0;
	lr =	simm.s32 $0x1  }
0x2: {  	[smem:$0x3F9E] =	sst lr;
	_ =	strace $0xD0000000  }
0x3: {  	_ = 	snop  }
0x4: {  	_ = 	snop  }
0x5: {  	_ = 	snop  }
0x6: {  	_ = 	snop  }
0x7: {  	_ = 	snop  }
__scs_overlays_trampoline_lowered:
0x8: {  	[smem:$0x3FAD] =	sst s0  }
0x9: {  	[smem:$0x3FAE] =	sst s1  }
0xa: {  	[smem:$0x3FAF] =	sst s2  }
0xb: {  	[smem:$0x3FB0] =	sst s3  }
0xc: {  	[smem:$0x3FB1] =	sst s4  }
0xd: {  	[smem:$0x3FB2] =	sst s5  }
0xe: {  	[smem:$0x3FB3] =	sst s6  }
0xf: {  	[smem:$0x3FB4] =	sst s7  }
0x10: {  	[smem:$0x3FB5] =	sst s8  }
0x11: {  	[smem:$0x3FB6] =	sst s9;
	s0 =	simm.s32 @!p0 $0x0  }
0x12: {  	s1 =	sld [smem:$0x3F9C];
	s0 =	simm.s32 @p0 $0x1  }
0x13: {  	[smem:$0x3FB7] =	sst s0;
	s0 =	simm.s32 @!p1 $0x0  }
0x14: {  	s2 =	sld [smem:$0x3F9B];
	s0 =	simm.s32 @p1 $0x1  }
0x15: {  	[smem:$0x3FB8] =	sst s0;
	s0 =	simm.s32 @!p2 $0x0  }
0x16: {  	s3 =	sld [smem:$0x3FDB];
	s0 =	simm.s32 @p2 $0x1  }
0x17: {  	s4 =	simm.s32 $0x1BF5;
	[smem:$0x3FBA] =	sst s0  }
0x18: {  	s0 =	sld [smem:$0x3F9D];
	_ =	swait.ge [sflag:s4], $0x0  }
0x19: {  	s7 =	sld [smem:$0x3F9E]  }
0x1a: {  	s8 =	sadd.s32 $0xFFFFE003, lr  }
0x1b: {  	s9 =	sadd.s32 $0xFFFFFEF7, lr;
	s5 =	simm.s32 $0xFFFFFFFF;
	p2 =	slt.u32 s8, $0xFFFFF086  }
0x1c: {  	p1 =	slt.u32 s9, $0xF7A;
	s5 =	simm.s32 @!p2 $0x0  }
0x1d: {  	s5 =	simm.s32 @p1 $0x1;
	p0 =	seq.s32 s7, s2  }
0x1e: {  	s7 =	smul.u32 @!p0 $0xF7A, s2;
	p2 =	seq.s32 @!p0 s5, $0x0  }
0x1f: {  	s9 =	smul.u32 $0xF7A, s1;
	s8 =	simm.s32 @!p0 $0x1BF5;
	p2 =	por !p2, p0  }
0x20: {  	[sflag:s8] =	ssyncset.s32 @!p0 $0xFFFFF086;
	s6 =	sadd.s32 @!p0 s3, s7;
	s7 =	simm.s32 @!p0 $0x108  }
0x21: {  	s3 =	sadd.s32 s3, s9;
	s6 =	sadd.s32 @!p0 $0x88, s6;
	s7 =	simm.s32 @p2 $0x1082  }
0x22: {  	[simem:s7], [sflag:s8] =	dma.local @!p0 [hbm:s6], $0xF7A  }
0x23: {  	s9 =	sor.u32 $0xD0000000, s2;
	s6 =	simm.s32 $0x108;
	_ =	swait.ge @!p0 [sflag:s8], $0x0  }
0x24: {  	s3 =	sadd.s32 $0x88, s3;
	s6 =	simm.s32 @!p1 $0x1082;
	[sflag:s4] =	ssyncset.s32 $0xFFFFF086  }
0x25: {  	[simem:s6], [sflag:s4] =	dma.local [hbm:s3], $0xF7A  }
0x26: {  	[smem:$0x3F9E] =	sst s1;
	(tag) =	ssettag s2;
	_ =	strace s9  }
0x27: {  	s1 =	sld [smem:$0x3FAE]  }
0x28: {  	s2 =	sld [smem:$0x3FAF]  }
0x29: {  	s4 =	sld [smem:$0x3FB1]  }
0x2a: {  	p0 =	seq.s32 s5, $0x0;
	s5 =	sld [smem:$0x3FB2]  }
0x2b: {  	s6 =	sld [smem:$0x3FB3]  }
0x2c: {  	s7 =	sld [smem:$0x3FB4]  }
0x2d: {  	s3 =	simm.s32 $0x108;
	s8 =	sld [smem:$0x3FB5]  }
0x2e: {  	s3 =	simm.s32 @!p0 $0x1082;
	s9 =	sld [smem:$0x3FB6]  }
0x2f: {  	lr =	sadd.s32 s0, s3;
	s0 =	sld [smem:$0x3FAD]  }
0x30: {  	s3 =	sld [smem:$0x3FB0]  }
0x31: {  	[smem:$0x3FB9] =	sst s10  }
0x32: {  	s10 =	sld [smem:$0x3FB7];
	_ =	sdelay $0x3  }
0x33: {  	p0 =	seq.s32 s10, $0x1;
	s10 =	sld [smem:$0x3FB9];
	_ =	sdelay $0x3  }
0x34: {  	[smem:$0x3FB9] =	sst s10  }
0x35: {  	s10 =	sld [smem:$0x3FB8];
	_ =	sdelay $0x3  }
0x36: {  	p1 =	seq.s32 s10, $0x1;
	s10 =	sld [smem:$0x3FB9];
	_ =	sdelay $0x3  }
0x37: {  	[smem:$0x3FB9] =	sst s10  }
0x38: {  	s10 =	sld [smem:$0x3FBA]  }
0x39: {  	_ = 	snop;
	(pc) =	sbr.ind lr, $3  }
0x3a: {  	_ = 	snop  }
0x3b: {  	_ = 	snop  }
0x3c: {  	p2 =	seq.s32 s10, $0x1;
	s10 =	sld [smem:$0x3FB9]  }
0x3d: {  	_ =	shalt  }
0x3e: {  	_ =	shalt  }
0x3f: {  	_ =	shalt  }
0x40: {  	_ =	shalt  }
0x41: {  	_ =	shalt  }
0x42: {  	_ =	shalt  }
0x43: {  	_ =	shalt  }
0x44: {  	_ =	shalt  }
0x45: {  	_ =	shalt  }
0x46: {  	_ =	shalt  }
0x47: {  	_ =	shalt  }
0x48: {  	_ =	shalt  }
0x49: {  	_ =	shalt  }
0x4a: {  	_ =	shalt  }
0x4b: {  	_ =	shalt  }
0x4c: {  	_ =	shalt  }
0x4d: {  	_ =	shalt  }
0x4e: {  	_ =	shalt  }
0x4f: {  	_ =	shalt  }
0x50: {  	_ =	shalt  }
0x51: {  	_ =	shalt  }
0x52: {  	_ =	shalt  }
0x53: {  	_ =	shalt  }
0x54: {  	_ =	shalt  }
0x55: {  	_ =	shalt  }
0x56: {  	_ =	shalt  }
0x57: {  	_ =	shalt  }
0x58: {  	_ =	shalt  }
0x59: {  	_ =	shalt  }
0x5a: {  	_ =	shalt  }
0x5b: {  	_ =	shalt  }
0x5c: {  	_ =	shalt  }
0x5d: {  	_ =	shalt  }
0x5e: {  	_ =	shalt  }
0x5f: {  	_ =	shalt  }
0x60: {  	_ =	shalt  }
0x61: {  	_ =	shalt  }
0x62: {  	_ =	shalt  }
0x63: {  	_ =	shalt  }
0x64: {  	_ =	shalt  }
0x65: {  	_ =	shalt  }
0x66: {  	_ =	shalt  }
0x67: {  	_ =	shalt  }
0x68: {  	_ =	shalt  }
0x69: {  	_ =	shalt  }
0x6a: {  	_ =	shalt  }
0x6b: {  	_ =	shalt  }
0x6c: {  	_ =	shalt  }
0x6d: {  	_ =	shalt  }
0x6e: {  	_ =	shalt  }
0x6f: {  	_ =	shalt  }
0x70: {  	_ =	shalt  }
0x71: {  	_ =	shalt  }
0x72: {  	_ =	shalt  }
0x73: {  	_ =	shalt  }
0x74: {  	_ =	shalt  }
0x75: {  	_ =	shalt  }
0x76: {  	_ =	shalt  }
0x77: {  	_ =	shalt  }
0x78: {  	_ =	shalt  }
0x79: {  	_ =	shalt  }
0x7a: {  	_ =	shalt  }
0x7b: {  	_ =	shalt  }
0x7c: {  	_ =	shalt  }
0x7d: {  	_ =	shalt  }
0x7e: {  	_ =	shalt  }
0x7f: {  	_ =	shalt  }
0x80: {  	_ =	shalt  }
0x81: {  	_ =	shalt  }
0x82: {  	_ =	shalt  }
0x83: {  	_ =	shalt  }
0x84: {  	_ =	shalt  }
0x85: {  	_ =	shalt  }
0x86: {  	_ =	shalt  }
0x87: {  	_ =	shalt  }
.Lfunc_end0:
.L_simem_size_0:
called_computation_lowered:
.L_overlay_start_0:
0x88: {  	s2 =	sld [smem:$0x3FD9]  }
0x89: {  	s3 =	sld [smem:$0x3FFE];
	_ =	sdelay $0x1  }
0x8a: {  	s1 =	srdreg.scid  }
0x8b: {  	s0 =	sand.u32 $0x1, s1  }
0x8c: {  	s17 =	sshll.u32 s0, $0xA;
	s2 =	sadd.s32 s3, s2  }
0x8d: {  	s2 =	sadd.s32 s2, s17  }
0x8e: {  	[smem:$0x3FC5] =	sst s2  }
0x8f: {  	_ = 	snop  }
0x90: {  	s2 =	sld [smem:$0x3FC7];
	(tm) =	ssettm $0x1  }
0x91: {  	s18 =	sld [smem:$0x3FFB];
	_ =	sdelay $0x3  }
0x92: {  	_ =	strace s18  }
0x93: {  	s3 =	sld [smem:$0x3FFC];
	_ =	sdelay $0x3  }
0x94: {  	_ =	strace s3  }
0x95: {  	s3 =	sld [smem:$0x3FFD];
	_ =	sdelay $0x3  }
0x96: {  	_ =	strace s3  }
0x97: {  	_ =	strace $0x8FFFFFFF  }
0x98: {  	s19 =	sld [smem:$0x3FDB];
	_ =	sdelay $0x1  }
0x99: {  	s4 =	simm.s32 $_scs_section_size  }
0x9a: {  	s5 =	simm.s32 $_size__tile_overlayer_lowered;
	s6 =	simm.s32 $_tile_overlayer_lowered  }
0x9b: {  	s22 =	simm.s32 $0x1BFF;
	s21 =	sshll.u32 s6, $0x1;
	s3 =	sadd.s32 s4, s19  }
0x9c: {  	s7 =	simm.s32 $0x0;
	s20 =	sshll.u32 s5, $0x1;
	s5 =	sadd.s32 s21, s3  }
0x9d: {  	[timem:s7], [sflag:s22] =	dma.local [hbm:s5], s20  }
0x9e: {  	_ =	swait.ge [sflag:s22], s20  }
0x9f: {  	s4 =	ssub.s32 $0x0, s20;
	[sflag:s22] =	ssyncset.done $0x0  }
0xa0: {  	[sflag:s22] =	ssyncadd.s32 s4;
	_ =	sdelay $0x1  }
0xa1: {  	s23 =	simm.s32 $0x1B8B  }
0xa2: {  	_ =	swait.ge [sflag:s23], $0x1  }
0xa3: {  	[sflag:s23] =	ssyncset.done $0x0  }
0xa4: {  	s25 =	simm.s32 $0x1B8E;
	s24 =	sld [smem:$0x3FFE];
	[sflag:s23] =	ssyncadd.s32 $0xFFFFFFFF  }
0xa5: {  	s26 =	simm.s32 $execute0_lowered;
	[smem:$0x3FD2] =	sst s25  }
0xa6: {  	s5 =	sshll.u32 s26, $0x1;
	_ =	strace $0x80000046;
	[dreg:$0x1] =	wrdreg $0xFFFFFFFF  }
0xa7: {  	s28 =	simm.s32 $_size_execute0_lowered;
	s3 =	sadd.s32 s3, s5;
	[dreg:$0x0] =	wrdreg $0x0  }
0xa8: {  	s5 =	sshll.u32 s28, $0x1;
	[dreg:$0x2] =	wrdreg s3  }
0xa9: {  	[dreg:$0x3] =	wrdreg s5  }
0xaa: {  	[dreg:$0x4] =	wrdreg $0xC0  }
0xab: {  	_ =	task [dreg:s7], $0x5FFFF  }
0xac: {  	[dreg:$0x1] =	wrdreg $0xFFFFFFFF  }
0xad: {  	[dreg:$0x0] =	wrdreg $0x60  }
0xae: {  	[dreg:$0x2] =	wrdreg s24  }
0xaf: {  	[dreg:$0x3] =	wrdreg s2  }
0xb0: {  	[dreg:$0x4] =	wrdreg $0x9  }
0xb1: {  	_ =	task.clear_ibuf [dreg:s7], $0x5FFFF;
	_ =	strace $0x90000046  }
0xb2: {  	s29 =	simm.s32 $0x9;
	_ =	strace $0x80000048  }
0xb3: {  	_ =	swait.ge [sflag:s29], $0x1  }
0xb4: {  	[sflag:s29] =	ssyncadd.s32 $0xFFFFFFFF  }
0xb5: {  	_ =	strace $0x90000048  }
0xb6: {  	_ =	sfence  }
0xb7: {  	s30 =	sld [smem:$0x0];
	_ =	sdelay $0x2  }
0xb8: {  	s31 =	sshll.u32 s1, $0xD;
	s1 =	sshrl.u32 s1, $0x2  }
0xb9: {  	s3 =	sand.u32 $0x4000, s31;
	s1 =	sadd.s32 s1, s30  }
0xba: {  	s0 =	sor.u32 s3, s0;
	s1 =	sshll.u32 s1, $0x11  }
0xbb: {  	s0 =	sor.u32 s1, s0  }
0xbc: {  	s0 =	sadd.s32 $0x8F2B, s0  }
0xbd: {  	[sflag:s0] =	ssyncadd.remote.s32 $0x1  }
0xbe: {  	_ =	sfence.sel $0xFFFF  }
0xbf: {  	[dreg:$0x0] =	wrdreg $0xFFFFFFFF;
	(pc) =	sbr.abs _section_cstart, $3  }
0xc0: {  	[dreg:$0x1] =	wrdreg $0xFFFFFFFF  }
0xc1: {  	_ =	task.clear_ibuf [dreg:s7], $0x2FFFF;
	_ =	strace $0x9FFFFFFF  }
0xc2: {  	(tm) =	ssettm $0x7FFFFFFF  }
0xc3: {  	_ =	shalt  }
tec
execute0_lowered:
.L_overlay_start_1:
0x0: {  	(tag) =	ssettag $0x1  }
0x1: {  	s1 =	srdreg.scid  }
0x2: {  	s7 =	rddreg [dreg:$0x0];
	s0 =	stileid.u32;
	s9 =	sand.u32 $0x1, s1  }
0x3: {  	s3 =	rddreg [dreg:$0x1];
	s4 =	sshll.u32 s0, $0xA;
	s5 =	sshll.u32 s9, $0x9  }
0x4: {  	s2 =	simm.s32 $0x0;
	s1 =	rddreg [dreg:$0x2];
	s5 =	sor.u32 s5, s4  }
0x5: {  	[smem:$0x7FF] =	sst s2;
	s4 =	sshrl.u32 s5, $0x3  }
0x6: {  	_ =	strace $0x80000047;
	s4 =	sadd.s32 s3, s4;
	s3 =	simm.s32 $0x2  }
0x7: {  	[tilespmem:s2], [sflag:$0x2] =	stream.linear.gather [hbm4b:s4+s2], $0x200, $0x38;
	[tilespmem:$0x10200] =	vst v63  }
0x8: {  	s5 =	sshll.u32 s5, $0x4;
	_ =	swait.ge [sflag:s3], $0x200  }
0x9: {  	s10 =	sadd.s32 s5, s7;
	[sflag:s3] =	ssyncset.done $0x0  }
0xa: {  	s6 =	simm.s32 $0x200;
	s5 =	sadd.s32 $0xC00, s10;
	[sflag:s3] =	ssyncadd.s32 $0xFFFFFE00  }
0xb: {  	[tilespmem:s6], [sflag:$0x2] =	stream.linear.gather [hbm4b:s5+s2], $0x10000, $0x38;
	[tilespmem:$0x10200] =	vst v63  }
0xc: {  	_ =	swait.ge [sflag:s3], $0x10000  }
0xd: {  	s8 =	simm.s32 $0x1;
	[sflag:s3] =	ssyncset.done $0x0  }
0xe: {  	s9 =	ssub.s32 $0x2, s9;
	s7 =	sadd.s32 $0x40C00, s7;
	[sflag:s3] =	ssyncadd.s32 $0xFFFF0000  }
0xf: {  	[hbm4b:s7+s6] =	stream.indirect.scatter [tilespmem:s6], [sflag:$0x1], $0x80, s2, s6, $0xb8;
	[tilespmem:$0x10200] =	vst v63  }
0x10: {  	s11 =	sshrl.u32 s9, $0x1;
	_ =	swait.ge [sflag:s8], $0x10000  }
0x11: {  	s11 =	ssub.s32 s9, s11;
	[sflag:s8] =	ssyncset.done $0x0  }
0x12: {  	s31 =	smax.u32 s11, $0x1;
	[sflag:s8] =	ssyncadd.s32 $0xFFFF0000  }
0x13: {  	[tilespmem:s6], [sflag:$0x1] =	stream.indirect.gather [hbm4b:s7+s6], $0x80, s2, s6, $0xb8;
	[tilespmem:$0x10200] =	vst v63  }
0x14: {  	p0 =	sne.s32 s31, $0x1;
	_ =	swait.ge [sflag:s8], $0x10000  }
.Ltmp0:
0x15: {  	[sflag:s8] =	ssyncset.done $0x0;
	(pc) =	sbr.rel @!p0 .LBB2_2-.Ltmp0, $4  }
0x16: {  	s9 =	sadd.s32 $0xF83000, s10;
	[sflag:s8] =	ssyncadd.s32 $0xFFFF0000  }
0x17: {  	[hbm4b:s9+s2] =	stream.linear.scatter [tilespmem:s6], [sflag:$0x2], $0x10000, $0x38;
	[tilespmem:$0x10200] =	vst v63  }
0x18: {  	_ =	swait.ge [sflag:s3], $0x10000  }
0x19: {  	s10 =	sadd.s32 $0xFFFFFFFF, s31;
	[sflag:s3] =	ssyncset.done $0x0  }
.LBB2_1:
0x1a: {  	p0 =	sne.s32 s10, $0x1;
	s10 =	sadd.s32 $0xFFFFFFFF, s10;
	[sflag:s3] =	ssyncadd.s32 $0xFFFF0000  }
0x1b: {  	[tilespmem:s2], [sflag:$0x2] =	stream.linear.gather [hbm4b:s4+s2], $0x200, $0x38;
	[tilespmem:$0x10200] =	vst v63  }
0x1c: {  	_ =	swait.ge [sflag:s3], $0x200  }
0x1d: {  	[sflag:s3] =	ssyncset.done $0x0  }
0x1e: {  	[sflag:s3] =	ssyncadd.s32 $0xFFFFFE00  }
0x1f: {  	[tilespmem:s6], [sflag:$0x2] =	stream.linear.gather [hbm4b:s5+s2], $0x10000, $0x38;
	[tilespmem:$0x10200] =	vst v63  }
0x20: {  	_ =	swait.ge [sflag:s3], $0x10000  }
0x21: {  	[sflag:s3] =	ssyncset.done $0x0  }
0x22: {  	[sflag:s3] =	ssyncadd.s32 $0xFFFF0000  }
0x23: {  	[hbm4b:s7+s6] =	stream.indirect.scatter [tilespmem:s6], [sflag:$0x1], $0x80, s2, s6, $0xb8;
	[tilespmem:$0x10200] =	vst v63  }
0x24: {  	_ =	swait.ge [sflag:s8], $0x10000  }
0x25: {  	[sflag:s8] =	ssyncset.done $0x0  }
0x26: {  	[sflag:s8] =	ssyncadd.s32 $0xFFFF0000  }
0x27: {  	[tilespmem:s6], [sflag:$0x1] =	stream.indirect.gather [hbm4b:s7+s6], $0x80, s2, s6, $0xb8;
	[tilespmem:$0x10200] =	vst v63  }
0x28: {  	_ =	swait.ge [sflag:s8], $0x10000  }
.Ltmp1:
0x29: {  	[sflag:s8] =	ssyncset.done $0x0;
	(pc) =	sbr.rel @p0 .LBB2_1-.Ltmp1, $4  }
0x2a: {  	[sflag:s8] =	ssyncadd.s32 $0xFFFF0000  }
0x2b: {  	[hbm4b:s9+s2] =	stream.linear.scatter [tilespmem:s6], [sflag:$0x2], $0x10000, $0x38;
	[tilespmem:$0x10200] =	vst v63  }
0x2c: {  	_ =	swait.ge [sflag:s3], $0x10000  }
0x2d: {  	[sflag:s3] =	ssyncset.done $0x0  }
.LBB2_2:
0x2e: {  	[sflag:s3] =	ssyncadd.s32 $0xFFFF0000  }
0x2f: {  	_ =	sfence.sel $0x180000  }
0x30: {  	[bflag:$0x0] =	sbarrier.arrive $0xFFFF  }
0x31: {  	p0 =	sne.s32 s0, $0x0;
	_ =	strace $0x90000047  }
0x32: {  	s0 =	sadd.s32 @!p0 $0x100000, s1;
	[bflag:$0x2] =	sbarrier.arrive $0xFFFF  }
0x33: {  	[sflag:s0] =	ssyncadd.tile.s32 @!p0 $0x1;
	_ =	shalt  }
.Lfunc_end2:
_tile_overlayer_lowered:
.L_overlay_start_2:
0x34: {  	(tag) =	ssettag $0x2  }
0x35: {  	s0 =	rddreg [dreg:$0x0];
	s2 =	stileid.u32  }
0x36: {  	s1 =	rddreg [dreg:$0x1];
	p0 =	sne.s32 s2, $0x0  }
0x37: {  	s3 =	rddreg [dreg:$0x2];
	[bflag:$0x3] =	sbarrier.arrive $0xFFFF;
	s2 =	simm.s32 @!p0 $0x1C02  }
0x38: {  	[timem:s3], [sflag:s2] =	dma.local @!p0 [hbm:s0], s1  }
0x39: {  	s0 =	simm.s32 @!p0 $0x2  }
0x3a: {  	_ =	swait.ge @!p0 [sflag:s0], s1  }
0x3b: {  	s1 =	ssub.s32 @!p0 $0x0, s1;
	[sflag:s0] =	ssyncset.done @!p0 $0x0  }
0x3c: {  	[sflag:s0] =	ssyncadd.s32 @!p0 s1  }
0x3d: {  	[bflag:$0x3] =	sbarrier.arrive $0xFFFF  }
0x3e: {  	_ =	shalt  }

</sc_bundles>
